<compile_context>
chip_gen: v7x
topology: tpu7x:2x2x1
jax: 0.10.2.dev20260603
libtpu: 0.0.44.dev20260713+nightly
codegen_flags: <defaults>
</compile_context>

<pallas_src>
import jax
import jax.numpy as jnp
from jax.experimental import pallas as pl
from jax.experimental.pallas import tpu as pltpu


def _pos_kernel(col_ref, row_ref, out_ref, scratch, sems):
    b = out_ref.shape[0]
    n = 64
    rows = col_ref.shape[0]
    d = col_ref.shape[1]
    coord = (jax.lax.broadcasted_iota(jnp.int32, (n, 1), 0).astype(jnp.float32)
             * (float(rows - 1) / n))
    fc = jnp.floor(coord)
    delta = coord - fc
    cols = jax.lax.broadcasted_iota(jnp.int32, (n, rows), 1).astype(jnp.float32)
    wmat = (jnp.where(cols == fc, 1.0 - delta, 0.0)
            + jnp.where(cols == fc + 1.0, delta, 0.0))
    xe_t = jax.lax.dot_general(col_ref[...], wmat, (((0,), (1,)), ((), ())),
                               preferred_element_type=jnp.float32)
    ye_t = jax.lax.dot_general(row_ref[...], wmat, (((0,), (1,)), ((), ())),
                               preferred_element_type=jnp.float32)
    x2 = jnp.concatenate([xe_t, xe_t], axis=1)
    xb = jnp.broadcast_to(x2[:, None, :], (d, n // 2, 2 * n))
    scratch[: d * n // 2] = xb.reshape(d * n // 2, 2 * n)
    k_idx = jax.lax.broadcasted_iota(jnp.int32, (n, n * n), 1)
    i_idx = jax.lax.broadcasted_iota(jnp.int32, (n, n * n), 0)
    e_y = (jax.lax.shift_right_logical(k_idx, 6) == i_idx).astype(jnp.float32)
    yb = jnp.dot(ye_t, e_y, preferred_element_type=jnp.float32)
    scratch[d * n // 2:] = yb.reshape(d * n // 2, 2 * n)
    copies = [
        pltpu.make_async_copy(scratch, out_ref.at[i], sems.at[i])
        for i in range(b)
    ]
    for c in copies:
        c.start()
    for c in copies:
        c.wait()


def kernel(x, calibs, img_size, row_embed, col_embed):
    b = x.shape[0]
    h, w = x.shape[-2], x.shape[-1]
    d = row_embed.shape[1]
    m = 2 * d * h * w // 128
    out = pl.pallas_call(
        _pos_kernel,
        in_specs=[
            pl.BlockSpec(memory_space=pltpu.MemorySpace.VMEM),
            pl.BlockSpec(memory_space=pltpu.MemorySpace.VMEM),
        ],
        out_specs=pl.BlockSpec(memory_space=pltpu.MemorySpace.HBM),
        out_shape=jax.ShapeDtypeStruct((b, m, 128), jnp.float32),
        scratch_shapes=[
            pltpu.VMEM((m, 128), jnp.float32),
            pltpu.SemaphoreType.DMA((b,)),
        ],
    )(col_embed, row_embed)
    return out.reshape(b, 2 * d, h, w)

# --- scband reference (transcript-rebuilt; emitter-appended) ---
"""Pipeline reference for scband-position-embedding-learned-8469675508030 (READ-ONLY COPY).

The authoritative reference and input builder live on the scoring server;
editing this copy changes nothing except your own understanding.
"""

import jax, jax.numpy as jnp
import numpy as np


def setup_inputs(seed: int = 0) -> dict:
    key = jax.random.key(seed)
    k1, k2, k3, k4, k5 = jax.random.split(key, 5)
    x = jax.random.normal(k1, (8, 256, 64, 64), dtype=jnp.float32)
    calibs = jax.random.normal(k2, (8, 3, 4), dtype=jnp.float32)
    img_size = jax.random.uniform(k3, (8, 2), dtype=jnp.float32)
    row_embed = jax.random.normal(k4, (50, 256), dtype=jnp.float32) * 0.02
    col_embed = jax.random.normal(k5, (50, 256), dtype=jnp.float32) * 0.02
    return {"x": x, "calibs": calibs, "img_size": img_size,
            "row_embed": row_embed, "col_embed": col_embed}


def _get_embed(coord, table):
    floor_coord = jnp.floor(coord)
    delta = (coord - floor_coord)[..., None]
    fc = floor_coord.astype(jnp.int32)
    cc = jnp.minimum(fc + 1, 49)
    return jnp.take(table, fc, axis=0) * (1.0 - delta) + jnp.take(table, cc, axis=0) * delta


def reference(x, calibs, img_size, row_embed, col_embed):
    h, w = x.shape[-2], x.shape[-1]
    i = jnp.arange(w, dtype=jnp.float32) / w * 49.0
    j = jnp.arange(h, dtype=jnp.float32) / h * 49.0
    x_emb = _get_embed(i, col_embed)  # [w, d]
    y_emb = _get_embed(j, row_embed)  # [h, d]
    pos = jnp.concatenate([
        jnp.tile(x_emb[None, :, :], (h, 1, 1)),   # [h, w, d]
        jnp.tile(y_emb[:, None, :], (1, w, 1)),   # [h, w, d]
    ], axis=-1)                                    # [h, w, 2d]
    pos = jnp.transpose(pos, (2, 0, 1))[None]      # [1, 2d, h, w]
    pos = jnp.tile(pos, (x.shape[0], 1, 1, 1))     # [B, 2d, h, w]
    return pos

if __name__ == "__main__":
    import jax
    _d = setup_inputs()
    print(jax.jit(kernel)(*tuple(_d.values())))

</pallas_src>

<mosaic_0001>
module attributes {stable_mosaic.version = 14 : i64} {
  func.func @_pos_kernel(%arg0: memref<50x256xf32, #tpu.memory_space<vmem>>, %arg1: memref<50x256xf32, #tpu.memory_space<vmem>>, %arg2: memref<8x16384x128xf32, #tpu.memory_space<hbm>>, %arg3: memref<16384x128xf32, #tpu.memory_space<vmem>>, %arg4: memref<8x!tpu.dma_semaphore, #tpu.memory_space<semaphore_mem>>) attributes {dimension_semantics = [], scalar_prefetch = 0 : i64, scratch_operands = 2 : i64, tpu.core_type = #tpu.core_type<tc>} {
    %iota3A = tpu.iota {dimensions = array<i32: 0>} : vector<64x1xi32>
    %convert_element_type3A = arith.sitofp %iota3A : vector<64x1xi32> to vector<64x1xf32>
    %mul3A = arith.constant 7.656250e-01 : f32
    %mul3A_0 = vector.broadcast %mul3A : f32 to vector<64x1xf32>
    %mul3A_1 = arith.mulf %convert_element_type3A, %mul3A_0 : vector<64x1xf32>
    %floor3A = math.floor %mul3A_1 : vector<64x1xf32>
    %sub3A = arith.subf %mul3A_1, %floor3A : vector<64x1xf32>
    %iota3A_2 = tpu.iota {dimensions = array<i32: 1>} : vector<64x50xi32>
    %convert_element_type3A_3 = arith.sitofp %iota3A_2 : vector<64x50xi32> to vector<64x50xf32>
    %eq3A = vector.broadcast %floor3A : vector<64x1xf32> to vector<64x50xf32>
    %eq3A_4 = arith.cmpf oeq, %convert_element_type3A_3, %eq3A : vector<64x50xf32>
    %sub3A_5 = arith.constant 1.000000e+00 : f32
    %sub3A_6 = vector.broadcast %sub3A_5 : f32 to vector<64x1xf32>
    %sub3A_7 = arith.subf %sub3A_6, %sub3A : vector<64x1xf32>
    %jit3A = arith.constant 0.000000e+00 : f32
    %broadcast_in_dim3A = vector.shape_cast %sub3A_7 : vector<64x1xf32> to vector<64x1xf32>
    %broadcast_in_dim3A_8 = vector.broadcast %broadcast_in_dim3A : vector<64x1xf32> to vector<64x50xf32>
    %broadcast_in_dim3A_9 = vector.broadcast %jit3A : f32 to vector<64x50xf32>
    %select_n3A = arith.select %eq3A_4, %broadcast_in_dim3A_8, %broadcast_in_dim3A_9 : vector<64x50xi1>, vector<64x50xf32>
    %add3A = arith.constant 1.000000e+00 : f32
    %add3A_10 = vector.broadcast %add3A : f32 to vector<64x1xf32>
    %add3A_11 = arith.addf %floor3A, %add3A_10 : vector<64x1xf32>
    %eq3A_12 = vector.broadcast %add3A_11 : vector<64x1xf32> to vector<64x50xf32>
    %eq3A_13 = arith.cmpf oeq, %convert_element_type3A_3, %eq3A_12 : vector<64x50xf32>
    %jit3A_14 = arith.constant 0.000000e+00 : f32
    %broadcast_in_dim3A_15 = vector.shape_cast %sub3A : vector<64x1xf32> to vector<64x1xf32>
    %broadcast_in_dim3A_16 = vector.broadcast %broadcast_in_dim3A_15 : vector<64x1xf32> to vector<64x50xf32>
    %broadcast_in_dim3A_17 = vector.broadcast %jit3A_14 : f32 to vector<64x50xf32>
    %select_n3A_18 = arith.select %eq3A_13, %broadcast_in_dim3A_16, %broadcast_in_dim3A_17 : vector<64x50xi1>, vector<64x50xf32>
    %add3A_19 = arith.addf %select_n3A, %select_n3A_18 : vector<64x50xf32>
    %get3A = arith.constant 0 : index
    %get3A_20 = arith.constant 0 : index
    %get3A_21 = vector.load %arg0[%get3A, %get3A_20] : memref<50x256xf32, #tpu.memory_space<vmem>>, vector<50x256xf32>
    %dot_general3A = arith.constant dense<0.000000e+00> : vector<256x64xf32>
    %dot_general3A_22 = tpu.matmul %get3A_21, %add3A_19, %dot_general3A {dimension_numbers = #tpu.dot_dimension_numbers<[0], [1], [1], [0], [0, 1, 1, 0], [], []>, transpose_lhs_hint = false} : vector<50x256xf32>, vector<64x50xf32>, vector<256x64xf32> -> vector<256x64xf32>
    %get3A_23 = arith.constant 0 : index
    %get3A_24 = arith.constant 0 : index
    %get3A_25 = vector.load %arg1[%get3A_23, %get3A_24] : memref<50x256xf32, #tpu.memory_space<vmem>>, vector<50x256xf32>
    %dot_general3A_26 = arith.constant dense<0.000000e+00> : vector<256x64xf32>
    %dot_general3A_27 = tpu.matmul %get3A_25, %add3A_19, %dot_general3A_26 {dimension_numbers = #tpu.dot_dimension_numbers<[0], [1], [1], [0], [0, 1, 1, 0], [], []>, transpose_lhs_hint = false} : vector<50x256xf32>, vector<64x50xf32>, vector<256x64xf32> -> vector<256x64xf32>
    %concatenate3A = tpu.concatenate %dot_general3A_22, %dot_general3A_22 in 1 : vector<256x64xf32>, vector<256x64xf32> -> vector<256x128xf32>
    %broadcast_in_dim3A_28 = vector.shape_cast %concatenate3A : vector<256x128xf32> to vector<256x1x128xf32>
    %broadcast_in_dim3A_29 = vector.shape_cast %broadcast_in_dim3A_28 : vector<256x1x128xf32> to vector<256x1x128xf32>
    %broadcast_in_dim3A_30 = vector.broadcast %broadcast_in_dim3A_29 : vector<256x1x128xf32> to vector<256x32x128xf32>
    %reshape3A = vector.shape_cast %broadcast_in_dim3A_30 : vector<256x32x128xf32> to vector<8192x128xf32>
    %swap3A = arith.constant 0 : index
    %swap3A_31 = arith.constant 0 : index
    %swap3A_32 = vector.load %arg3[%swap3A, %swap3A_31] : memref<16384x128xf32, #tpu.memory_space<vmem>>, vector<8192x128xf32>
    tpu.vector_store %arg3[%swap3A, %swap3A_31], %reshape3A {strides = array<i32>} : memref<16384x128xf32, #tpu.memory_space<vmem>>, vector<8192x128xf32>,
    %iota3A_33 = tpu.iota {dimensions = array<i32: 1>} : vector<64x4096xi32>
    %iota3A_34 = tpu.iota {dimensions = array<i32: 0>} : vector<64x4096xi32>
    %shift_right_logical3A = arith.constant 6 : i32
    %shift_right_logical3A_35 = vector.broadcast %shift_right_logical3A : i32 to vector<64x4096xi32>
    %shift_right_logical3A_36 = arith.shrui %iota3A_33, %shift_right_logical3A_35 : vector<64x4096xi32>
    %eq3A_37 = arith.cmpi eq, %shift_right_logical3A_36, %iota3A_34 : vector<64x4096xi32>
    %convert_element_type3A_38 = arith.extui %eq3A_37 : vector<64x4096xi1> to vector<64x4096xi32>
    %convert_element_type3A_39 = arith.sitofp %convert_element_type3A_38 : vector<64x4096xi32> to vector<64x4096xf32>
    %dot_general3A_40 = arith.constant dense<0.000000e+00> : vector<256x4096xf32>
    %dot_general3A_41 = tpu.matmul %dot_general3A_27, %convert_element_type3A_39, %dot_general3A_40 {dimension_numbers = #tpu.dot_dimension_numbers<[1], [0], [0], [1], [0, 0, 1, 1], [], []>, transpose_lhs_hint = false} : vector<256x64xf32>, vector<64x4096xf32>, vector<256x4096xf32> -> vector<256x4096xf32>
    %reshape3A_42 = vector.shape_cast %dot_general3A_41 : vector<256x4096xf32> to vector<8192x128xf32>
    %swap3A_43 = arith.constant 8192 : index
    %swap3A_44 = arith.constant 0 : index
    %swap3A_45 = vector.load %arg3[%swap3A_43, %swap3A_44] : memref<16384x128xf32, #tpu.memory_space<vmem>>, vector<8192x128xf32>
    tpu.vector_store %arg3[%swap3A_43, %swap3A_44], %reshape3A_42 {strides = array<i32>} : memref<16384x128xf32, #tpu.memory_space<vmem>>, vector<8192x128xf32>,
    %dma_start3A = arith.constant 0 : i32
    %dma_start3A_46 = arith.constant 0 : i32
    %dma_start3A_47 = tpu.memref_slice %arg4[%dma_start3A_46] : memref<8x!tpu.dma_semaphore, #tpu.memory_space<semaphore_mem>> -> memref<1x!tpu.dma_semaphore, #tpu.memory_space<semaphore_mem>>
    %dma_start3A_48 = tpu.memref_squeeze %dma_start3A_47 : memref<1x!tpu.dma_semaphore, #tpu.memory_space<semaphore_mem>> -> memref<!tpu.dma_semaphore, #tpu.memory_space<semaphore_mem>>
    %dma_start3A_49 = arith.constant 0 : i32
    %dma_start3A_50 = arith.constant 0 : i32
    %dma_start3A_51 = tpu.memref_slice %arg2[%dma_start3A, %dma_start3A_49, %dma_start3A_50] : memref<8x16384x128xf32, #tpu.memory_space<hbm>> -> memref<1x16384x128xf32, #tpu.memory_space<hbm>>
    %dma_start3A_52 = tpu.memref_squeeze %dma_start3A_51 : memref<1x16384x128xf32, #tpu.memory_space<hbm>> -> memref<16384x128xf32, #tpu.memory_space<hbm>>
    tpu.enqueue_dma source(%arg3 : memref<16384x128xf32, #tpu.memory_space<vmem>>) target(%dma_start3A_52 : memref<16384x128xf32, #tpu.memory_space<hbm>>) target_semaphore(%dma_start3A_48 : memref<!tpu.dma_semaphore, #tpu.memory_space<semaphore_mem>>)
    %dma_start3A_53 = arith.constant 1 : i32
    %dma_start3A_54 = arith.constant 1 : i32
    %dma_start3A_55 = tpu.memref_slice %arg4[%dma_start3A_54] : memref<8x!tpu.dma_semaphore, #tpu.memory_space<semaphore_mem>> -> memref<1x!tpu.dma_semaphore, #tpu.memory_space<semaphore_mem>>
    %dma_start3A_56 = tpu.memref_squeeze %dma_start3A_55 : memref<1x!tpu.dma_semaphore, #tpu.memory_space<semaphore_mem>> -> memref<!tpu.dma_semaphore, #tpu.memory_space<semaphore_mem>>
    %dma_start3A_57 = arith.constant 0 : i32
    %dma_start3A_58 = arith.constant 0 : i32
    %dma_start3A_59 = tpu.memref_slice %arg2[%dma_start3A_53, %dma_start3A_57, %dma_start3A_58] : memref<8x16384x128xf32, #tpu.memory_space<hbm>> -> memref<1x16384x128xf32, #tpu.memory_space<hbm>>
    %dma_start3A_60 = tpu.memref_squeeze %dma_start3A_59 : memref<1x16384x128xf32, #tpu.memory_space<hbm>> -> memref<16384x128xf32, #tpu.memory_space<hbm>>
    tpu.enqueue_dma source(%arg3 : memref<16384x128xf32, #tpu.memory_space<vmem>>) target(%dma_start3A_60 : memref<16384x128xf32, #tpu.memory_space<hbm>>) target_semaphore(%dma_start3A_56 : memref<!tpu.dma_semaphore, #tpu.memory_space<semaphore_mem>>)
    %dma_start3A_61 = arith.constant 2 : i32
    %dma_start3A_62 = arith.constant 2 : i32
    %dma_start3A_63 = tpu.memref_slice %arg4[%dma_start3A_62] : memref<8x!tpu.dma_semaphore, #tpu.memory_space<semaphore_mem>> -> memref<1x!tpu.dma_semaphore, #tpu.memory_space<semaphore_mem>>
    %dma_start3A_64 = tpu.memref_squeeze %dma_start3A_63 : memref<1x!tpu.dma_semaphore, #tpu.memory_space<semaphore_mem>> -> memref<!tpu.dma_semaphore, #tpu.memory_space<semaphore_mem>>
    %dma_start3A_65 = arith.constant 0 : i32
    %dma_start3A_66 = arith.constant 0 : i32
    %dma_start3A_67 = tpu.memref_slice %arg2[%dma_start3A_61, %dma_start3A_65, %dma_start3A_66] : memref<8x16384x128xf32, #tpu.memory_space<hbm>> -> memref<1x16384x128xf32, #tpu.memory_space<hbm>>
    %dma_start3A_68 = tpu.memref_squeeze %dma_start3A_67 : memref<1x16384x128xf32, #tpu.memory_space<hbm>> -> memref<16384x128xf32, #tpu.memory_space<hbm>>
    tpu.enqueue_dma source(%arg3 : memref<16384x128xf32, #tpu.memory_space<vmem>>) target(%dma_start3A_68 : memref<16384x128xf32, #tpu.memory_space<hbm>>) target_semaphore(%dma_start3A_64 : memref<!tpu.dma_semaphore, #tpu.memory_space<semaphore_mem>>)
    %dma_start3A_69 = arith.constant 3 : i32
    %dma_start3A_70 = arith.constant 3 : i32
    %dma_start3A_71 = tpu.memref_slice %arg4[%dma_start3A_70] : memref<8x!tpu.dma_semaphore, #tpu.memory_space<semaphore_mem>> -> memref<1x!tpu.dma_semaphore, #tpu.memory_space<semaphore_mem>>
    %dma_start3A_72 = tpu.memref_squeeze %dma_start3A_71 : memref<1x!tpu.dma_semaphore, #tpu.memory_space<semaphore_mem>> -> memref<!tpu.dma_semaphore, #tpu.memory_space<semaphore_mem>>
    %dma_start3A_73 = arith.constant 0 : i32
    %dma_start3A_74 = arith.constant 0 : i32
    %dma_start3A_75 = tpu.memref_slice %arg2[%dma_start3A_69, %dma_start3A_73, %dma_start3A_74] : memref<8x16384x128xf32, #tpu.memory_space<hbm>> -> memref<1x16384x128xf32, #tpu.memory_space<hbm>>
    %dma_start3A_76 = tpu.memref_squeeze %dma_start3A_75 : memref<1x16384x128xf32, #tpu.memory_space<hbm>> -> memref<16384x128xf32, #tpu.memory_space<hbm>>
    tpu.enqueue_dma source(%arg3 : memref<16384x128xf32, #tpu.memory_space<vmem>>) target(%dma_start3A_76 : memref<16384x128xf32, #tpu.memory_space<hbm>>) target_semaphore(%dma_start3A_72 : memref<!tpu.dma_semaphore, #tpu.memory_space<semaphore_mem>>)
    %dma_start3A_77 = arith.constant 4 : i32
    %dma_start3A_78 = arith.constant 4 : i32
    %dma_start3A_79 = tpu.memref_slice %arg4[%dma_start3A_78] : memref<8x!tpu.dma_semaphore, #tpu.memory_space<semaphore_mem>> -> memref<1x!tpu.dma_semaphore, #tpu.memory_space<semaphore_mem>>
    %dma_start3A_80 = tpu.memref_squeeze %dma_start3A_79 : memref<1x!tpu.dma_semaphore, #tpu.memory_space<semaphore_mem>> -> memref<!tpu.dma_semaphore, #tpu.memory_space<semaphore_mem>>
    %dma_start3A_81 = arith.constant 0 : i32
    %dma_start3A_82 = arith.constant 0 : i32
    %dma_start3A_83 = tpu.memref_slice %arg2[%dma_start3A_77, %dma_start3A_81, %dma_start3A_82] : memref<8x16384x128xf32, #tpu.memory_space<hbm>> -> memref<1x16384x128xf32, #tpu.memory_space<hbm>>
    %dma_start3A_84 = tpu.memref_squeeze %dma_start3A_83 : memref<1x16384x128xf32, #tpu.memory_space<hbm>> -> memref<16384x128xf32, #tpu.memory_space<hbm>>
    tpu.enqueue_dma source(%arg3 : memref<16384x128xf32, #tpu.memory_space<vmem>>) target(%dma_start3A_84 : memref<16384x128xf32, #tpu.memory_space<hbm>>) target_semaphore(%dma_start3A_80 : memref<!tpu.dma_semaphore, #tpu.memory_space<semaphore_mem>>)
    %dma_start3A_85 = arith.constant 5 : i32
    %dma_start3A_86 = arith.constant 5 : i32
    %dma_start3A_87 = tpu.memref_slice %arg4[%dma_start3A_86] : memref<8x!tpu.dma_semaphore, #tpu.memory_space<semaphore_mem>> -> memref<1x!tpu.dma_semaphore, #tpu.memory_space<semaphore_mem>>
    %dma_start3A_88 = tpu.memref_squeeze %dma_start3A_87 : memref<1x!tpu.dma_semaphore, #tpu.memory_space<semaphore_mem>> -> memref<!tpu.dma_semaphore, #tpu.memory_space<semaphore_mem>>
    %dma_start3A_89 = arith.constant 0 : i32
    %dma_start3A_90 = arith.constant 0 : i32
    %dma_start3A_91 = tpu.memref_slice %arg2[%dma_start3A_85, %dma_start3A_89, %dma_start3A_90] : memref<8x16384x128xf32, #tpu.memory_space<hbm>> -> memref<1x16384x128xf32, #tpu.memory_space<hbm>>
    %dma_start3A_92 = tpu.memref_squeeze %dma_start3A_91 : memref<1x16384x128xf32, #tpu.memory_space<hbm>> -> memref<16384x128xf32, #tpu.memory_space<hbm>>
    tpu.enqueue_dma source(%arg3 : memref<16384x128xf32, #tpu.memory_space<vmem>>) target(%dma_start3A_92 : memref<16384x128xf32, #tpu.memory_space<hbm>>) target_semaphore(%dma_start3A_88 : memref<!tpu.dma_semaphore, #tpu.memory_space<semaphore_mem>>)
    %dma_start3A_93 = arith.constant 6 : i32
    %dma_start3A_94 = arith.constant 6 : i32
    %dma_start3A_95 = tpu.memref_slice %arg4[%dma_start3A_94] : memref<8x!tpu.dma_semaphore, #tpu.memory_space<semaphore_mem>> -> memref<1x!tpu.dma_semaphore, #tpu.memory_space<semaphore_mem>>
    %dma_start3A_96 = tpu.memref_squeeze %dma_start3A_95 : memref<1x!tpu.dma_semaphore, #tpu.memory_space<semaphore_mem>> -> memref<!tpu.dma_semaphore, #tpu.memory_space<semaphore_mem>>
    %dma_start3A_97 = arith.constant 0 : i32
    %dma_start3A_98 = arith.constant 0 : i32
    %dma_start3A_99 = tpu.memref_slice %arg2[%dma_start3A_93, %dma_start3A_97, %dma_start3A_98] : memref<8x16384x128xf32, #tpu.memory_space<hbm>> -> memref<1x16384x128xf32, #tpu.memory_space<hbm>>
    %dma_start3A_100 = tpu.memref_squeeze %dma_start3A_99 : memref<1x16384x128xf32, #tpu.memory_space<hbm>> -> memref<16384x128xf32, #tpu.memory_space<hbm>>
    tpu.enqueue_dma source(%arg3 : memref<16384x128xf32, #tpu.memory_space<vmem>>) target(%dma_start3A_100 : memref<16384x128xf32, #tpu.memory_space<hbm>>) target_semaphore(%dma_start3A_96 : memref<!tpu.dma_semaphore, #tpu.memory_space<semaphore_mem>>)
    %dma_start3A_101 = arith.constant 7 : i32
    %dma_start3A_102 = arith.constant 7 : i32
    %dma_start3A_103 = tpu.memref_slice %arg4[%dma_start3A_102] : memref<8x!tpu.dma_semaphore, #tpu.memory_space<semaphore_mem>> -> memref<1x!tpu.dma_semaphore, #tpu.memory_space<semaphore_mem>>
    %dma_start3A_104 = tpu.memref_squeeze %dma_start3A_103 : memref<1x!tpu.dma_semaphore, #tpu.memory_space<semaphore_mem>> -> memref<!tpu.dma_semaphore, #tpu.memory_space<semaphore_mem>>
    %dma_start3A_105 = arith.constant 0 : i32
    %dma_start3A_106 = arith.constant 0 : i32
    %dma_start3A_107 = tpu.memref_slice %arg2[%dma_start3A_101, %dma_start3A_105, %dma_start3A_106] : memref<8x16384x128xf32, #tpu.memory_space<hbm>> -> memref<1x16384x128xf32, #tpu.memory_space<hbm>>
    %dma_start3A_108 = tpu.memref_squeeze %dma_start3A_107 : memref<1x16384x128xf32, #tpu.memory_space<hbm>> -> memref<16384x128xf32, #tpu.memory_space<hbm>>
    tpu.enqueue_dma source(%arg3 : memref<16384x128xf32, #tpu.memory_space<vmem>>) target(%dma_start3A_108 : memref<16384x128xf32, #tpu.memory_space<hbm>>) target_semaphore(%dma_start3A_104 : memref<!tpu.dma_semaphore, #tpu.memory_space<semaphore_mem>>)
    %dma_wait3A = arith.constant 0 : i32
    %dma_wait3A_109 = arith.constant 0 : i32
    %dma_wait3A_110 = tpu.memref_slice %arg4[%dma_wait3A_109] : memref<8x!tpu.dma_semaphore, #tpu.memory_space<semaphore_mem>> -> memref<1x!tpu.dma_semaphore, #tpu.memory_space<semaphore_mem>>
    %dma_wait3A_111 = tpu.memref_squeeze %dma_wait3A_110 : memref<1x!tpu.dma_semaphore, #tpu.memory_space<semaphore_mem>> -> memref<!tpu.dma_semaphore, #tpu.memory_space<semaphore_mem>>
    %dma_wait3A_112 = arith.constant 0 : i32
    %dma_wait3A_113 = arith.constant 0 : i32
    %dma_wait3A_114 = tpu.memref_slice %arg2[%dma_wait3A, %dma_wait3A_112, %dma_wait3A_113] : memref<8x16384x128xf32, #tpu.memory_space<hbm>> -> memref<1x16384x128xf32, #tpu.memory_space<hbm>>
    %dma_wait3A_115 = tpu.memref_squeeze %dma_wait3A_114 : memref<1x16384x128xf32, #tpu.memory_space<hbm>> -> memref<16384x128xf32, #tpu.memory_space<hbm>>
    tpu.wait_dma2 semaphore(%dma_wait3A_111 : memref<!tpu.dma_semaphore, #tpu.memory_space<semaphore_mem>>) src(%arg3 : memref<16384x128xf32, #tpu.memory_space<vmem>>) dst(%dma_wait3A_115 : memref<16384x128xf32, #tpu.memory_space<hbm>>)
    %dma_wait3A_116 = arith.constant 1 : i32
    %dma_wait3A_117 = arith.constant 1 : i32
    %dma_wait3A_118 = tpu.memref_slice %arg4[%dma_wait3A_117] : memref<8x!tpu.dma_semaphore, #tpu.memory_space<semaphore_mem>> -> memref<1x!tpu.dma_semaphore, #tpu.memory_space<semaphore_mem>>
    %dma_wait3A_119 = tpu.memref_squeeze %dma_wait3A_118 : memref<1x!tpu.dma_semaphore, #tpu.memory_space<semaphore_mem>> -> memref<!tpu.dma_semaphore, #tpu.memory_space<semaphore_mem>>
    %dma_wait3A_120 = arith.constant 0 : i32
    %dma_wait3A_121 = arith.constant 0 : i32
    %dma_wait3A_122 = tpu.memref_slice %arg2[%dma_wait3A_116, %dma_wait3A_120, %dma_wait3A_121] : memref<8x16384x128xf32, #tpu.memory_space<hbm>> -> memref<1x16384x128xf32, #tpu.memory_space<hbm>>
    %dma_wait3A_123 = tpu.memref_squeeze %dma_wait3A_122 : memref<1x16384x128xf32, #tpu.memory_space<hbm>> -> memref<16384x128xf32, #tpu.memory_space<hbm>>
    tpu.wait_dma2 semaphore(%dma_wait3A_119 : memref<!tpu.dma_semaphore, #tpu.memory_space<semaphore_mem>>) src(%arg3 : memref<16384x128xf32, #tpu.memory_space<vmem>>) dst(%dma_wait3A_123 : memref<16384x128xf32, #tpu.memory_space<hbm>>)
    %dma_wait3A_124 = arith.constant 2 : i32
    %dma_wait3A_125 = arith.constant 2 : i32
    %dma_wait3A_126 = tpu.memref_slice %arg4[%dma_wait3A_125] : memref<8x!tpu.dma_semaphore, #tpu.memory_space<semaphore_mem>> -> memref<1x!tpu.dma_semaphore, #tpu.memory_space<semaphore_mem>>
    %dma_wait3A_127 = tpu.memref_squeeze %dma_wait3A_126 : memref<1x!tpu.dma_semaphore, #tpu.memory_space<semaphore_mem>> -> memref<!tpu.dma_semaphore, #tpu.memory_space<semaphore_mem>>
    %dma_wait3A_128 = arith.constant 0 : i32
    %dma_wait3A_129 = arith.constant 0 : i32
    %dma_wait3A_130 = tpu.memref_slice %arg2[%dma_wait3A_124, %dma_wait3A_128, %dma_wait3A_129] : memref<8x16384x128xf32, #tpu.memory_space<hbm>> -> memref<1x16384x128xf32, #tpu.memory_space<hbm>>
    %dma_wait3A_131 = tpu.memref_squeeze %dma_wait3A_130 : memref<1x16384x128xf32, #tpu.memory_space<hbm>> -> memref<16384x128xf32, #tpu.memory_space<hbm>>
    tpu.wait_dma2 semaphore(%dma_wait3A_127 : memref<!tpu.dma_semaphore, #tpu.memory_space<semaphore_mem>>) src(%arg3 : memref<16384x128xf32, #tpu.memory_space<vmem>>) dst(%dma_wait3A_131 : memref<16384x128xf32, #tpu.memory_space<hbm>>)
    %dma_wait3A_132 = arith.constant 3 : i32
    %dma_wait3A_133 = arith.constant 3 : i32
    %dma_wait3A_134 = tpu.memref_slice %arg4[%dma_wait3A_133] : memref<8x!tpu.dma_semaphore, #tpu.memory_space<semaphore_mem>> -> memref<1x!tpu.dma_semaphore, #tpu.memory_space<semaphore_mem>>
    %dma_wait3A_135 = tpu.memref_squeeze %dma_wait3A_134 : memref<1x!tpu.dma_semaphore, #tpu.memory_space<semaphore_mem>> -> memref<!tpu.dma_semaphore, #tpu.memory_space<semaphore_mem>>
    %dma_wait3A_136 = arith.constant 0 : i32
    %dma_wait3A_137 = arith.constant 0 : i32
    %dma_wait3A_138 = tpu.memref_slice %arg2[%dma_wait3A_132, %dma_wait3A_136, %dma_wait3A_137] : memref<8x16384x128xf32, #tpu.memory_space<hbm>> -> memref<1x16384x128xf32, #tpu.memory_space<hbm>>
    %dma_wait3A_139 = tpu.memref_squeeze %dma_wait3A_138 : memref<1x16384x128xf32, #tpu.memory_space<hbm>> -> memref<16384x128xf32, #tpu.memory_space<hbm>>
    tpu.wait_dma2 semaphore(%dma_wait3A_135 : memref<!tpu.dma_semaphore, #tpu.memory_space<semaphore_mem>>) src(%arg3 : memref<16384x128xf32, #tpu.memory_space<vmem>>) dst(%dma_wait3A_139 : memref<16384x128xf32, #tpu.memory_space<hbm>>)
    %dma_wait3A_140 = arith.constant 4 : i32
    %dma_wait3A_141 = arith.constant 4 : i32
    %dma_wait3A_142 = tpu.memref_slice %arg4[%dma_wait3A_141] : memref<8x!tpu.dma_semaphore, #tpu.memory_space<semaphore_mem>> -> memref<1x!tpu.dma_semaphore, #tpu.memory_space<semaphore_mem>>
    %dma_wait3A_143 = tpu.memref_squeeze %dma_wait3A_142 : memref<1x!tpu.dma_semaphore, #tpu.memory_space<semaphore_mem>> -> memref<!tpu.dma_semaphore, #tpu.memory_space<semaphore_mem>>
    %dma_wait3A_144 = arith.constant 0 : i32
    %dma_wait3A_145 = arith.constant 0 : i32
    %dma_wait3A_146 = tpu.memref_slice %arg2[%dma_wait3A_140, %dma_wait3A_144, %dma_wait3A_145] : memref<8x16384x128xf32, #tpu.memory_space<hbm>> -> memref<1x16384x128xf32, #tpu.memory_space<hbm>>
    %dma_wait3A_147 = tpu.memref_squeeze %dma_wait3A_146 : memref<1x16384x128xf32, #tpu.memory_space<hbm>> -> memref<16384x128xf32, #tpu.memory_space<hbm>>
    tpu.wait_dma2 semaphore(%dma_wait3A_143 : memref<!tpu.dma_semaphore, #tpu.memory_space<semaphore_mem>>) src(%arg3 : memref<16384x128xf32, #tpu.memory_space<vmem>>) dst(%dma_wait3A_147 : memref<16384x128xf32, #tpu.memory_space<hbm>>)
    %dma_wait3A_148 = arith.constant 5 : i32
    %dma_wait3A_149 = arith.constant 5 : i32
    %dma_wait3A_150 = tpu.memref_slice %arg4[%dma_wait3A_149] : memref<8x!tpu.dma_semaphore, #tpu.memory_space<semaphore_mem>> -> memref<1x!tpu.dma_semaphore, #tpu.memory_space<semaphore_mem>>
    %dma_wait3A_151 = tpu.memref_squeeze %dma_wait3A_150 : memref<1x!tpu.dma_semaphore, #tpu.memory_space<semaphore_mem>> -> memref<!tpu.dma_semaphore, #tpu.memory_space<semaphore_mem>>
    %dma_wait3A_152 = arith.constant 0 : i32
    %dma_wait3A_153 = arith.constant 0 : i32
    %dma_wait3A_154 = tpu.memref_slice %arg2[%dma_wait3A_148, %dma_wait3A_152, %dma_wait3A_153] : memref<8x16384x128xf32, #tpu.memory_space<hbm>> -> memref<1x16384x128xf32, #tpu.memory_space<hbm>>
    %dma_wait3A_155 = tpu.memref_squeeze %dma_wait3A_154 : memref<1x16384x128xf32, #tpu.memory_space<hbm>> -> memref<16384x128xf32, #tpu.memory_space<hbm>>
    tpu.wait_dma2 semaphore(%dma_wait3A_151 : memref<!tpu.dma_semaphore, #tpu.memory_space<semaphore_mem>>) src(%arg3 : memref<16384x128xf32, #tpu.memory_space<vmem>>) dst(%dma_wait3A_155 : memref<16384x128xf32, #tpu.memory_space<hbm>>)
    %dma_wait3A_156 = arith.constant 6 : i32
    %dma_wait3A_157 = arith.constant 6 : i32
    %dma_wait3A_158 = tpu.memref_slice %arg4[%dma_wait3A_157] : memref<8x!tpu.dma_semaphore, #tpu.memory_space<semaphore_mem>> -> memref<1x!tpu.dma_semaphore, #tpu.memory_space<semaphore_mem>>
    %dma_wait3A_159 = tpu.memref_squeeze %dma_wait3A_158 : memref<1x!tpu.dma_semaphore, #tpu.memory_space<semaphore_mem>> -> memref<!tpu.dma_semaphore, #tpu.memory_space<semaphore_mem>>
    %dma_wait3A_160 = arith.constant 0 : i32
    %dma_wait3A_161 = arith.constant 0 : i32
    %dma_wait3A_162 = tpu.memref_slice %arg2[%dma_wait3A_156, %dma_wait3A_160, %dma_wait3A_161] : memref<8x16384x128xf32, #tpu.memory_space<hbm>> -> memref<1x16384x128xf32, #tpu.memory_space<hbm>>
    %dma_wait3A_163 = tpu.memref_squeeze %dma_wait3A_162 : memref<1x16384x128xf32, #tpu.memory_space<hbm>> -> memref<16384x128xf32, #tpu.memory_space<hbm>>
    tpu.wait_dma2 semaphore(%dma_wait3A_159 : memref<!tpu.dma_semaphore, #tpu.memory_space<semaphore_mem>>) src(%arg3 : memref<16384x128xf32, #tpu.memory_space<vmem>>) dst(%dma_wait3A_163 : memref<16384x128xf32, #tpu.memory_space<hbm>>)
    %dma_wait3A_164 = arith.constant 7 : i32
    %dma_wait3A_165 = arith.constant 7 : i32
    %dma_wait3A_166 = tpu.memref_slice %arg4[%dma_wait3A_165] : memref<8x!tpu.dma_semaphore, #tpu.memory_space<semaphore_mem>> -> memref<1x!tpu.dma_semaphore, #tpu.memory_space<semaphore_mem>>
    %dma_wait3A_167 = tpu.memref_squeeze %dma_wait3A_166 : memref<1x!tpu.dma_semaphore, #tpu.memory_space<semaphore_mem>> -> memref<!tpu.dma_semaphore, #tpu.memory_space<semaphore_mem>>
    %dma_wait3A_168 = arith.constant 0 : i32
    %dma_wait3A_169 = arith.constant 0 : i32
    %dma_wait3A_170 = tpu.memref_slice %arg2[%dma_wait3A_164, %dma_wait3A_168, %dma_wait3A_169] : memref<8x16384x128xf32, #tpu.memory_space<hbm>> -> memref<1x16384x128xf32, #tpu.memory_space<hbm>>
    %dma_wait3A_171 = tpu.memref_squeeze %dma_wait3A_170 : memref<1x16384x128xf32, #tpu.memory_space<hbm>> -> memref<16384x128xf32, #tpu.memory_space<hbm>>
    tpu.wait_dma2 semaphore(%dma_wait3A_167 : memref<!tpu.dma_semaphore, #tpu.memory_space<semaphore_mem>>) src(%arg3 : memref<16384x128xf32, #tpu.memory_space<vmem>>) dst(%dma_wait3A_171 : memref<16384x128xf32, #tpu.memory_space<hbm>>)
    return
  }
}

</mosaic_0001>

<sc_bundles>
// kernel: sparse-core-data-format-call.cloned.1.call-start
scs
called_computation_lowered:
.L_overlay_start_0:
0x0: {  	s2 =	sld [smem:$0x3FD9]  }
0x1: {  	s3 =	sld [smem:$0x3FFE];
	_ =	sdelay $0x1  }
0x2: {  	s1 =	srdreg.scid  }
0x3: {  	s0 =	sand.u32 $0x1, s1  }
0x4: {  	s18 =	sshll.u32 s0, $0xA;
	s2 =	sadd.s32 s3, s2  }
0x5: {  	s2 =	sadd.s32 s2, s18  }
0x6: {  	[smem:$0x3FC6] =	sst s2  }
0x7: {  	_ = 	snop  }
0x8: {  	s2 =	sld [smem:$0x3FD0];
	(tm) =	ssettm $0x1  }
0x9: {  	s19 =	sld [smem:$0x3FFB];
	_ =	sdelay $0x3  }
0xa: {  	_ =	strace s19  }
0xb: {  	s3 =	sld [smem:$0x3FFC];
	_ =	sdelay $0x3  }
0xc: {  	_ =	strace s3  }
0xd: {  	s3 =	sld [smem:$0x3FFD];
	_ =	sdelay $0x3  }
0xe: {  	_ =	strace s3  }
0xf: {  	_ =	strace $0x8FFFFFFF  }
0x10: {  	s20 =	sld [smem:$0x3FDB];
	_ =	sdelay $0x1  }
0x11: {  	s4 =	simm.s32 $_scs_section_size  }
0x12: {  	s5 =	simm.s32 $_size__tile_overlayer_lowered;
	s6 =	simm.s32 $_tile_overlayer_lowered  }
0x13: {  	s23 =	simm.s32 $0x1BFF;
	s22 =	sshll.u32 s6, $0x1;
	s3 =	sadd.s32 s4, s20  }
0x14: {  	s7 =	simm.s32 $0x0;
	s21 =	sshll.u32 s5, $0x1;
	s5 =	sadd.s32 s22, s3  }
0x15: {  	[timem:s7], [sflag:s23] =	dma.local [hbm:s5], s21  }
0x16: {  	_ =	swait.ge [sflag:s23], s21  }
0x17: {  	s4 =	ssub.s32 $0x0, s21;
	[sflag:s23] =	ssyncset.done $0x0  }
0x18: {  	[sflag:s23] =	ssyncadd.s32 s4;
	_ =	sdelay $0x1  }
0x19: {  	s24 =	simm.s32 $0x1B8B  }
0x1a: {  	_ =	swait.ge [sflag:s24], $0x1  }
0x1b: {  	[sflag:s24] =	ssyncset.done $0x0  }
0x1c: {  	s26 =	simm.s32 $0x1B8E;
	s25 =	sld [smem:$0x3FFE];
	[sflag:s24] =	ssyncadd.s32 $0xFFFFFFFF  }
0x1d: {  	s27 =	simm.s32 $execute0_lowered;
	[smem:$0x3FD2] =	sst s26  }
0x1e: {  	s5 =	sshll.u32 s27, $0x1;
	_ =	strace $0x80000046;
	[dreg:$0x1] =	wrdreg $0xFFFFFFFF  }
0x1f: {  	s28 =	simm.s32 $_size_execute0_lowered;
	s3 =	sadd.s32 s3, s5;
	[dreg:$0x0] =	wrdreg $0x0  }
0x20: {  	s5 =	sshll.u32 s28, $0x1;
	[dreg:$0x2] =	wrdreg s3  }
0x21: {  	[dreg:$0x3] =	wrdreg s5  }
0x22: {  	[dreg:$0x4] =	wrdreg $0xC0  }
0x23: {  	_ =	task [dreg:s7], $0x5FFFF  }
0x24: {  	[dreg:$0x1] =	wrdreg $0xFFFFFFFF  }
0x25: {  	[dreg:$0x0] =	wrdreg $0x60  }
0x26: {  	[dreg:$0x2] =	wrdreg s25  }
0x27: {  	[dreg:$0x3] =	wrdreg s2  }
0x28: {  	[dreg:$0x4] =	wrdreg $0x9  }
0x29: {  	_ =	task.clear_ibuf [dreg:s7], $0x5FFFF;
	_ =	strace $0x90000046  }
0x2a: {  	s29 =	simm.s32 $0x9;
	_ =	strace $0x80000048  }
0x2b: {  	_ =	swait.ge [sflag:s29], $0x1  }
0x2c: {  	[sflag:s29] =	ssyncadd.s32 $0xFFFFFFFF  }
0x2d: {  	_ =	strace $0x90000048  }
0x2e: {  	_ =	sfence  }
0x2f: {  	s30 =	sld [smem:$0x0];
	_ =	sdelay $0x2  }
0x30: {  	s31 =	sshll.u32 s1, $0xD;
	s1 =	sshrl.u32 s1, $0x2  }
0x31: {  	s3 =	sand.u32 $0x4000, s31;
	s1 =	sadd.s32 s1, s30  }
0x32: {  	s0 =	sor.u32 s3, s0;
	s1 =	sshll.u32 s1, $0x11  }
0x33: {  	s0 =	sor.u32 s1, s0  }
0x34: {  	s0 =	sadd.s32 $0x8F2B, s0  }
0x35: {  	[sflag:s0] =	ssyncadd.remote.s32 $0x1  }
0x36: {  	_ =	sfence.sel $0xFFFF  }
0x37: {  	[dreg:$0x0] =	wrdreg $0xFFFFFFFF;
	(pc) =	sbr.abs _section_cstart, $3  }
0x38: {  	[dreg:$0x1] =	wrdreg $0xFFFFFFFF  }
0x39: {  	_ =	task.clear_ibuf [dreg:s7], $0x2FFFF;
	_ =	strace $0x9FFFFFFF  }
0x3a: {  	(tm) =	ssettm $0x7FFFFFFF  }
0x3b: {  	_ =	shalt  }
tec
execute0_lowered:
.L_overlay_start_1:
0x0: {  	(tag) =	ssettag $0x1  }
0x1: {  	s0 =	stileid.u32;
	s4 =	rddreg [dreg:$0x0]  }
0x2: {  	s1 =	srdreg.scid;
	s3 =	rddreg [dreg:$0x1];
	s7 =	simm.s32 $0x1  }
0x3: {  	s31 =	simm.s32 $0x2;
	s2 =	sshll.u32 s0, $0x4;
	s1 =	sshll.u32 s1, $0x8  }
0x4: {  	s15 =	simm.s32 $0x0;
	s9 =	simm.s32 $0x1000;
	s1 =	sor.u32 s2, s1  }
0x5: {  	s14 =	simm.s32 $0x0;
	s16 =	simm.s32 $0x0;
	s2 =	sand.u32 $0x180, s1  }
0x6: {  	s10 =	simm.s32 $0x0;
	s13 =	simm.s32 $0x0;
	s5 =	ssub.s32 $0x200, s2  }
0x7: {  	s4 =	sadd.s32 $0x800, s4;
	s1 =	rddreg [dreg:$0x2];
	s6 =	sand.u32 $0x180, s5  }
.Ltmp0:
0x8: {  	_ =	strace $0x80000047;
	p0 =	sne.s32 s6, $0x0;
	(pc) =	sbr.rel .LBB1_1-.Ltmp0, $4  }
0x9: {  	s11 =	smov.u32 s2;
	s8 =	sshrl.u32 s5, $0x9;
	s7 =	simm.s32 @!p0 $0x0  }
0xa: {  	s5 =	sand.u32 $0x7, s0;
	s6 =	simm.s32 $0x1;
	s7 =	sadd.s32 s7, s8  }
0xb: {  	s12 =	smov.u32 s5;
	[sflag:s6] =	ssyncpa.u1 $0x0;
	s7 =	sshll.u32 s7, $0x6  }
0xc: {  	p0 =	por $0x0, $0x0;
	[sflag:s31] =	ssyncpa.u1 $0x0;
	s8 =	sor.u32 $0x1, s7  }
.LBB1_4:
0xd: {  	s16 =	sshll.u32 s16, $0x12  }
0xe: {  	s19 =	sand.u32 $0xF80, s14;
	s15 =	sshll.u32 s15, $0xC;
	s16 =	sadd.s32 s3, s16  }
0xf: {  	[tilespmem:s18+$0x810 ss:$0x81] =	vst.msk $0xffff, v2;
	s20 =	sshrl.u32 s14, $0x3;
	s30 =	sand.u32 $0x7, s14;
	s16 =	sadd.s32 s19, s16  }
0x10: {  	[tilespmem:s18+$0x1020 ss:$0x81] =	vst.msk $0xffff, v0;
	s31 =	sand.u32 $0xF, s20;
	s14 =	sshll.u32 s30, $0x12;
	s15 =	sadd.s32 s15, s16  }
0x11: {  	[tilespmem:s18+$0x0 ss:$0x81] =	vst.msk $0xffff, v1;
	s14 =	sor.u32 $0x400, s14;
	s15 =	sadd.s32 s31, s15  }
0x12: {  	[hbm4b:s15+s14] =	stream.strided.scatter [tilespmem:s17], [sflag:$0x2], $0x2000, s9, s14, $0x20;
	[tilespmem:$0x8080] =	vst v63  }
.LBB1_5:
0x13: {  	s17 =	sadd.s32 $0x1, s10  }
0x14: {  	s14 =	sadd.s32 $0x200, s11;
	s18 =	smov.u32 s11;
	p2 =	sgt.s32 s17, $0x3F  }
0x15: {  	s18 =	smov.u32 @p2 s14  }
0x16: {  	s20 =	smov.u32 s12;
	s14 =	sadd.s32 $0x8, s12;
	p3 =	sgt.s32 s18, $0x1FF  }
0x17: {  	s20 =	smov.u32 @p3 s14  }
0x18: {  	s17 =	simm.s32 @p2 $0x0;
	p2 =	sgt.s32 s20, $0x7  }
0x19: {  	p1 =	slt.u32 s13, $0x2;
	s20 =	smov.u32 @p2 s5;
	p2 =	sne.s32 s13, s8  }
.Ltmp1:
0x1a: {  	s19 =	simm.s32 @!p1 $0x2;
	(pc) =	sbr.rel @!p2 .LBB1_6-.Ltmp1, $4  }
0x1b: {  	s15 =	smov.u32 s10;
	s16 =	smov.u32 s12;
	_ =	swait.ge @!p1 [sflag:s19], $0x2000  }
0x1c: {  	p0 =	por !p0, !p0;
	[sflag:s19] =	ssyncset.done @!p1 $0x0;
	s10 =	smov.u32 s17  }
0x1d: {  	s18 =	smov.u32 @p3 s2;
	s14 =	smov.u32 s11;
	[sflag:s19] =	ssyncadd.s32 @!p1 $0xFFFFE000  }
0x1e: {  	s11 =	smov.u32 s18;
	s13 =	sadd.s32 $0x1, s13;
	s12 =	smov.u32 s20  }
.LBB1_1:
0x1f: {  	p1 =	sge.u32 s13, s7;
	s31 =	sadd.s32 $0xFFFFFFFF, s13  }
0x20: {  	s17 =	sxor.u32 @!p1 $0xFFFFFFFF, s13;
	s18 =	sshll.u32 @!p1 s12, $0x13;
	s19 =	sshll.u32 @!p1 s11, $0xA  }
0x21: {  	s20 =	sshll.u32 @!p1 s10, $0x4;
	s17 =	sshll.u32 @!p1 s17, $0xD;
	s18 =	sadd.s32 @!p1 s4, s18  }
0x22: {  	s20 =	sand.u32 @!p1 $0x3F0, s20;
	s17 =	sand.u32 @!p1 $0x2000, s17;
	s18 =	sadd.s32 @!p1 s19, s18  }
0x23: {  	s19 =	simm.s32 @!p1 $0x40;
	s18 =	sadd.s32 @!p1 s20, s18;
	s20 =	simm.s32 @!p1 $0x2000  }
0x24: {  	[tilespmem:s17], [sflag:$0x1] =	stream.strided.gather @!p1 [hbm4b:s18+s19], $0x2000, s20, s19, $0x38;
	[tilespmem:$0x8080] =	vst v63  }
0x25: {  	p1 =	sge.u32 s31, s7  }
.Ltmp2:
0x26: {  	_ = 	snop;
	(pc) =	sbr.rel @p1 .LBB1_5-.Ltmp2, $1  }
0x27: {  	_ =	sdelay $0x3  }
0x28: {  	s17 =	simm.s32 $0x1  }
0x29: {  	_ =	swait.ge [sflag:s6], $0x2000;
	s17 =	simm.s32 @!p0 $0x0  }
0x2a: {  	[sflag:s6] =	ssyncset.done $0x0;
	s18 =	sshll.u32 s17, $0xD  }
0x2b: {  	[sflag:s6] =	ssyncadd.s32 $0xFFFFE000;
	s21 =	sor.u32 $0x20, s18  }
0x2c: {  	s17 =	smul.u32 $0x8100, s17;
	v3 =	vld [tilespmem:s21+$0x10]  }
0x2d: {  	s30 =	sand.u32 $0x1, s13;
	v2 =	vld [tilespmem:s21+$0xFFFFFFF0]  }
0x2e: {  	s18 =	smul.u32 $0x8100, s30;
	s17 =	sshrl.u32 s17, $0x2;
	v0 =	vld [tilespmem:s21+$0x0]  }
0x2f: {  	v1 =	vld [tilespmem:s21+$0xFFFFFFE0];
	s19 =	sor.u32 $0x4000, s17  }
0x30: {  	s31 =	sshrl.u32 s18, $0x2;
	s18 =	sadd.s32 $0x0, s19  }
0x31: {  	s20 =	simm.s32 $0x4;
	s21 =	sadd.s32 $0x40, s21;
	s17 =	sor.u32 $0x4000, s31;
	[tilespmem:s18+$0x1830 ss:$0x81] =	vst.msk $0xffff, v3  }
.LBB1_3:
0x32: {  	v3 =	vld [tilespmem:s21+$0x10];
	p1 =	sne.s32 s20, $0x1FC;
	[tilespmem:s18+$0x810 ss:$0x81] =	vst.msk $0xffff, v2;
	s22 =	smov.u32 s20;
	s20 =	sadd.s32 $0x4, s20  }
.Ltmp3:
0x33: {  	v2 =	vld [tilespmem:s21+$0xFFFFFFF0];
	[tilespmem:s18+$0x1020 ss:$0x81] =	vst.msk $0xffff, v0;
	(pc) =	sbr.rel @p1 .LBB1_3-.Ltmp3, $4  }
0x34: {  	v0 =	vld [tilespmem:s21+$0x0];
	[tilespmem:s18+$0x0 ss:$0x81] =	vst.msk $0xffff, v1  }
0x35: {  	s18 =	sshra.s32 s22, $0x2;
	v1 =	vld [tilespmem:s21+$0xFFFFFFE0]  }
0x36: {  	s18 =	sadd.s32 s18, s19  }
0x37: {  	s21 =	sadd.s32 $0x40, s21;
	[tilespmem:s18+$0x1830 ss:$0x81] =	vst.msk $0xffff, v3  }
.Ltmp4:
0x38: {  	_ = 	snop;
	(pc) =	sbr.rel .LBB1_4-.Ltmp4, $1  }
0x39: {  	_ =	sdelay $0x3  }
.LBB1_6:
0x3a: {  	_ =	sfence.sel $0x180000  }
0x3b: {  	s2 =	simm.s32 $0x1;
	[bflag:$0x0] =	sbarrier.arrive $0xFFFF  }
0x3c: {  	s31 =	simm.s32 $0x2;
	[sflag:s2] =	ssyncpa.u1 $0x1  }
0x3d: {  	[sflag:s31] =	ssyncpa.u1 $0x1  }
0x3e: {  	p0 =	sne.s32 s0, $0x0;
	_ =	strace $0x90000047  }
0x3f: {  	s0 =	sadd.s32 @!p0 $0x100000, s1;
	[bflag:$0x2] =	sbarrier.arrive $0xFFFF  }
0x40: {  	[sflag:s0] =	ssyncadd.tile.s32 @!p0 $0x1;
	_ =	shalt  }
.Lfunc_end1:
_tile_overlayer_lowered:
.L_overlay_start_2:
0x41: {  	(tag) =	ssettag $0x2  }
0x42: {  	s0 =	rddreg [dreg:$0x0];
	s2 =	stileid.u32  }
0x43: {  	s1 =	rddreg [dreg:$0x1];
	p0 =	sne.s32 s2, $0x0  }
0x44: {  	s3 =	rddreg [dreg:$0x2];
	[bflag:$0x3] =	sbarrier.arrive $0xFFFF;
	s2 =	simm.s32 @!p0 $0x1C01  }
0x45: {  	[timem:s3], [sflag:s2] =	dma.local @!p0 [hbm:s0], s1  }
0x46: {  	s0 =	simm.s32 @!p0 $0x1  }
0x47: {  	_ =	swait.ge @!p0 [sflag:s0], s1  }
0x48: {  	s1 =	ssub.s32 @!p0 $0x0, s1;
	[sflag:s0] =	ssyncset.done @!p0 $0x0  }
0x49: {  	[sflag:s0] =	ssyncadd.s32 @!p0 s1  }
0x4a: {  	[bflag:$0x3] =	sbarrier.arrive $0xFFFF  }
0x4b: {  	_ =	shalt  }

</sc_bundles>
